<compile_context>
chip_gen: v7x
topology: tpu7x:2x2x1
jax: 0.10.2.dev20260603
libtpu: 0.0.44.dev20260713+nightly
codegen_flags: <defaults>
</compile_context>

<pallas_src>
import jax
import jax.numpy as jnp
from jax.experimental import pallas as pl

_R = 64


def _gelu_exact(v):
    return 0.5 * v * (1.0 + jax.lax.erf(v * 0.7071067811865476))


def _body(xr_ref, w1a_ref, b1a_ref, w2a_ref, b2a_ref,
          w1b_ref, b1b_ref, w2b_ref, b2b_ref,
          ws1_ref, bs1_ref, ws3_ref, bs3_ref, ws2_ref, bs2_ref,
          out_ref):
    f32 = jnp.float32
    bf16 = jnp.bfloat16
    x = xr_ref[0]
    x16 = x.astype(bf16)
    h1 = jnp.dot(x16, ws1_ref[...], preferred_element_type=f32) + bs1_ref[...]
    h3 = jnp.dot(x16, ws3_ref[...], preferred_element_type=f32) + bs3_ref[...]
    g = (jax.nn.silu(h1) * h3).astype(bf16)
    shared = jnp.dot(g, ws2_ref[...], preferred_element_type=f32) + bs2_ref[...]
    ha = _gelu_exact(jnp.dot(x16, w1a_ref[0].astype(bf16),
                             preferred_element_type=f32) + b1a_ref[0])
    ea = jnp.dot(ha.astype(bf16), w2a_ref[0].astype(bf16),
                 preferred_element_type=f32) + b2a_ref[0]
    hb = _gelu_exact(jnp.dot(x16, w1b_ref[0].astype(bf16),
                             preferred_element_type=f32) + b1b_ref[0])
    eb = jnp.dot(hb.astype(bf16), w2b_ref[0].astype(bf16),
                 preferred_element_type=f32) + b2b_ref[0]
    out_ref[0] = 0.5 * shared + 0.25 * (ea + eb)


def kernel(x, t_emb, Ws1, bs1, Ws3, bs3, Ws2, bs2, W1, b1, W2, b2):
    B, T, C = x.shape
    N = B * T
    J = N // _R
    E, _, HR = W1.shape
    HS = Ws1.shape[1]
    f32 = jnp.float32

    bf16 = jnp.bfloat16
    xr = x.reshape(J, _R, C).transpose(1, 0, 2)
    Ws1c, Ws3c, Ws2c = Ws1.astype(bf16), Ws3.astype(bf16), Ws2.astype(bf16)
    b1r = b1[:, None, :]
    b2r = b2[:, None, :]
    bs1r = bs1[None, :]
    bs3r = bs3[None, :]
    bs2r = bs2[None, :]

    out = pl.pallas_call(
        _body,
        grid=(_R,),
        in_specs=[
            pl.BlockSpec((1, J, C), lambda r: (r, 0, 0)),
            pl.BlockSpec((1, C, HR), lambda r: ((3 * r) % _R, 0, 0)),
            pl.BlockSpec((1, 1, HR), lambda r: ((3 * r) % _R, 0, 0)),
            pl.BlockSpec((1, HR, C), lambda r: ((3 * r) % _R, 0, 0)),
            pl.BlockSpec((1, 1, C), lambda r: ((3 * r) % _R, 0, 0)),
            pl.BlockSpec((1, C, HR), lambda r: ((3 * r + 47) % _R, 0, 0)),
            pl.BlockSpec((1, 1, HR), lambda r: ((3 * r + 47) % _R, 0, 0)),
            pl.BlockSpec((1, HR, C), lambda r: ((3 * r + 47) % _R, 0, 0)),
            pl.BlockSpec((1, 1, C), lambda r: ((3 * r + 47) % _R, 0, 0)),
            pl.BlockSpec((C, HS), lambda r: (0, 0)),
            pl.BlockSpec((1, HS), lambda r: (0, 0)),
            pl.BlockSpec((C, HS), lambda r: (0, 0)),
            pl.BlockSpec((1, HS), lambda r: (0, 0)),
            pl.BlockSpec((HS, C), lambda r: (0, 0)),
            pl.BlockSpec((1, C), lambda r: (0, 0)),
        ],
        out_specs=pl.BlockSpec((1, J, C), lambda r: (r, 0, 0)),
        out_shape=jax.ShapeDtypeStruct((_R, J, C), f32),
    )(xr, W1, b1r, W2, b2r, W1, b1r, W2, b2r,
      Ws1c, bs1r, Ws3c, bs3r, Ws2c, bs2r)

    return out.transpose(1, 0, 2).reshape(B, T, C)

# --- scband reference (transcript-rebuilt; emitter-appended) ---
"""Pipeline reference for scband-hash-mo-elayer-47906065219947 (READ-ONLY COPY).

The authoritative reference and input builder live on the scoring server;
editing this copy changes nothing except your own understanding.
"""

import jax, jax.numpy as jnp
import numpy as np

B, T, C = 2, 4096, 1024
E, TOPK = 64, 2
HS, HR = 2048, 512
PRIME = 67  # smallest prime >= E + 1 = 65


def setup_inputs(seed: int = 0) -> dict:
    key = jax.random.key(seed)
    ks = jax.random.split(key, 12)
    s = 0.02
    return {
        "x": jax.random.normal(ks[0], (B, T, C), dtype=jnp.float32),
        "t_emb": jax.random.normal(ks[1], (B, C), dtype=jnp.float32),
        # shared expert (SwiGLU) params, [in, out] layout
        "Ws1": jax.random.normal(ks[2], (C, HS), dtype=jnp.float32) * s,
        "bs1": jnp.zeros((HS,), dtype=jnp.float32),
        "Ws3": jax.random.normal(ks[3], (C, HS), dtype=jnp.float32) * s,
        "bs3": jnp.zeros((HS,), dtype=jnp.float32),
        "Ws2": jax.random.normal(ks[4], (HS, C), dtype=jnp.float32) * s,
        "bs2": jnp.zeros((C,), dtype=jnp.float32),
        # routed experts (GELU FFN), stacked over E
        "W1": jax.random.normal(ks[5], (E, C, HR), dtype=jnp.float32) * s,
        "b1": jnp.zeros((E, HR), dtype=jnp.float32),
        "W2": jax.random.normal(ks[6], (E, HR, C), dtype=jnp.float32) * s,
        "b2": jnp.zeros((E, C), dtype=jnp.float32),
    }


def reference(x, t_emb, Ws1, bs1, Ws3, bs3, Ws2, bs2, W1, b1, W2, b2):
    Bx, Tx, Cx = x.shape
    N = Bx * Tx
    xf = x.reshape(N, Cx)
    # shared expert (single): SwiGLU FFN
    shared = (jax.nn.silu(xf @ Ws1 + bs1) * (xf @ Ws3 + bs3)) @ Ws2 + bs2
    tok = jnp.arange(N, dtype=jnp.int32)
    out = jnp.zeros((N, Cx), dtype=x.dtype)
    per = N // E  # hash routing is perfectly balanced (gcd(PRIME, E) == 1, E | N)
    for k in range(TOPK):
        exp_ids = (tok * PRIME + k * 7919) % E
        sort_idx = jnp.argsort(exp_ids)  # stable by default in jax
        sorted_x = jnp.take(xf, sort_idx, axis=0).reshape(E, per, Cx)
        sorted_tok = jnp.take(tok, sort_idx, axis=0)
        h = jax.nn.gelu(jnp.einsum('epc,ech->eph', sorted_x, W1) + b1[:, None, :], approximate=False)
        eo = jnp.einsum('eph,ehc->epc', h, W2) + b2[:, None, :]
        out = out.at[sorted_tok].add(eo.reshape(N, Cx))
    out = out / TOPK
    return ((shared + out) / 2.0).reshape(Bx, Tx, Cx)

if __name__ == "__main__":
    import jax
    _d = setup_inputs()
    print(jax.jit(kernel)(*tuple(_d.values())))

</pallas_src>

<mosaic_0001>
module attributes {stable_mosaic.version = 14 : i64} {
  func.func @_body(%arg0: i32, %arg1: memref<1x128x1024xf32, #tpu.memory_space<vmem>>, %arg2: memref<1x1024x512xf32, #tpu.memory_space<vmem>>, %arg3: memref<1x1x512xf32, #tpu.memory_space<vmem>>, %arg4: memref<1x512x1024xf32, #tpu.memory_space<vmem>>, %arg5: memref<1x1x1024xf32, #tpu.memory_space<vmem>>, %arg6: memref<1x1024x512xf32, #tpu.memory_space<vmem>>, %arg7: memref<1x1x512xf32, #tpu.memory_space<vmem>>, %arg8: memref<1x512x1024xf32, #tpu.memory_space<vmem>>, %arg9: memref<1x1x1024xf32, #tpu.memory_space<vmem>>, %arg10: memref<1024x2048xbf16, #tpu.memory_space<vmem>>, %arg11: memref<1x2048xf32, #tpu.memory_space<vmem>>, %arg12: memref<1024x2048xbf16, #tpu.memory_space<vmem>>, %arg13: memref<1x2048xf32, #tpu.memory_space<vmem>>, %arg14: memref<2048x1024xbf16, #tpu.memory_space<vmem>>, %arg15: memref<1x1024xf32, #tpu.memory_space<vmem>>, %arg16: memref<1x128x1024xf32, #tpu.memory_space<vmem>>) attributes {dimension_semantics = [#tpu.dimension_semantics<arbitrary>], iteration_bounds = array<i64: 64>, scalar_prefetch = 0 : i64, scratch_operands = 0 : i64, tpu.core_type = #tpu.core_type<tc>, window_params = [{transform_indices = @transform_0, window_bounds = array<i64: 1, 128, 1024>}, {transform_indices = @transform_1, window_bounds = array<i64: 1, 1024, 512>}, {transform_indices = @transform_2, window_bounds = array<i64: 1, 1, 512>}, {transform_indices = @transform_3, window_bounds = array<i64: 1, 512, 1024>}, {transform_indices = @transform_4, window_bounds = array<i64: 1, 1, 1024>}, {transform_indices = @transform_5, window_bounds = array<i64: 1, 1024, 512>}, {transform_indices = @transform_6, window_bounds = array<i64: 1, 1, 512>}, {transform_indices = @transform_7, window_bounds = array<i64: 1, 512, 1024>}, {transform_indices = @transform_8, window_bounds = array<i64: 1, 1, 1024>}, {pipeline_mode = #tpu.pipeline_mode<synchronous>, transform_indices = @transform_9, window_bounds = array<i64: 1024, 2048>}, {pipeline_mode = #tpu.pipeline_mode<synchronous>, transform_indices = @transform_10, window_bounds = array<i64: 1, 2048>}, {pipeline_mode = #tpu.pipeline_mode<synchronous>, transform_indices = @transform_11, window_bounds = array<i64: 1024, 2048>}, {pipeline_mode = #tpu.pipeline_mode<synchronous>, transform_indices = @transform_12, window_bounds = array<i64: 1, 2048>}, {pipeline_mode = #tpu.pipeline_mode<synchronous>, transform_indices = @transform_13, window_bounds = array<i64: 2048, 1024>}, {pipeline_mode = #tpu.pipeline_mode<synchronous>, transform_indices = @transform_14, window_bounds = array<i64: 1, 1024>}, {transform_indices = @transform_15, window_bounds = array<i64: 1, 128, 1024>}]} {
    %get3A = arith.constant 0 : index
    %get3A_0 = arith.constant 0 : index
    %get3A_1 = arith.constant 0 : index
    %get3A_2 = vector.load %arg1[%get3A, %get3A_0, %get3A_1] : memref<1x128x1024xf32, #tpu.memory_space<vmem>>, vector<1x128x1024xf32>
    %get3A_3 = vector.shape_cast %get3A_2 : vector<1x128x1024xf32> to vector<128x1024xf32>
    %convert_element_type3A = arith.truncf %get3A_3 : vector<128x1024xf32> to vector<128x1024xbf16>
    %get3A_4 = arith.constant 0 : index
    %get3A_5 = arith.constant 0 : index
    %get3A_6 = vector.load %arg10[%get3A_4, %get3A_5] : memref<1024x2048xbf16, #tpu.memory_space<vmem>>, vector<1024x2048xbf16>
    %dot_general3A = arith.constant dense<0.000000e+00> : vector<128x2048xf32>
    %dot_general3A_7 = tpu.matmul %convert_element_type3A, %get3A_6, %dot_general3A {dimension_numbers = #tpu.dot_dimension_numbers<[1], [0], [0], [1], [0, 0, 1, 1], [], []>, transpose_lhs_hint = false} : vector<128x1024xbf16>, vector<1024x2048xbf16>, vector<128x2048xf32> -> vector<128x2048xf32>
    %get3A_8 = arith.constant 0 : index
    %get3A_9 = arith.constant 0 : index
    %get3A_10 = vector.load %arg11[%get3A_8, %get3A_9] : memref<1x2048xf32, #tpu.memory_space<vmem>>, vector<1x2048xf32>
    %add3A = vector.broadcast %get3A_10 : vector<1x2048xf32> to vector<128x2048xf32>
    %add3A_11 = arith.addf %dot_general3A_7, %add3A : vector<128x2048xf32>
    %get3A_12 = arith.constant 0 : index
    %get3A_13 = arith.constant 0 : index
    %get3A_14 = vector.load %arg12[%get3A_12, %get3A_13] : memref<1024x2048xbf16, #tpu.memory_space<vmem>>, vector<1024x2048xbf16>
    %dot_general3A_15 = arith.constant dense<0.000000e+00> : vector<128x2048xf32>
    %dot_general3A_16 = tpu.matmul %convert_element_type3A, %get3A_14, %dot_general3A_15 {dimension_numbers = #tpu.dot_dimension_numbers<[1], [0], [0], [1], [0, 0, 1, 1], [], []>, transpose_lhs_hint = false} : vector<128x1024xbf16>, vector<1024x2048xbf16>, vector<128x2048xf32> -> vector<128x2048xf32>
    %get3A_17 = arith.constant 0 : index
    %get3A_18 = arith.constant 0 : index
    %get3A_19 = vector.load %arg13[%get3A_17, %get3A_18] : memref<1x2048xf32, #tpu.memory_space<vmem>>, vector<1x2048xf32>
    %add3A_20 = vector.broadcast %get3A_19 : vector<1x2048xf32> to vector<128x2048xf32>
    %add3A_21 = arith.addf %dot_general3A_16, %add3A_20 : vector<128x2048xf32>
    %logistic3A = arith.negf %add3A_11 : vector<128x2048xf32>
    %logistic3A_22 = math.exp %logistic3A : vector<128x2048xf32>
    %logistic3A_23 = arith.constant 1.000000e+00 : f32
    %logistic3A_24 = vector.broadcast %logistic3A_23 : f32 to vector<128x2048xf32>
    %logistic3A_25 = arith.addf %logistic3A_24, %logistic3A_22 : vector<128x2048xf32>
    %logistic3A_26 = arith.divf %logistic3A_24, %logistic3A_25 : vector<128x2048xf32>
    %mul3A = arith.mulf %add3A_11, %logistic3A_26 : vector<128x2048xf32>
    %mul3A_27 = arith.mulf %mul3A, %add3A_21 : vector<128x2048xf32>
    %convert_element_type3A_28 = arith.truncf %mul3A_27 : vector<128x2048xf32> to vector<128x2048xbf16>
    %get3A_29 = arith.constant 0 : index
    %get3A_30 = arith.constant 0 : index
    %get3A_31 = vector.load %arg14[%get3A_29, %get3A_30] : memref<2048x1024xbf16, #tpu.memory_space<vmem>>, vector<2048x1024xbf16>
    %dot_general3A_32 = arith.constant dense<0.000000e+00> : vector<128x1024xf32>
    %dot_general3A_33 = tpu.matmul %convert_element_type3A_28, %get3A_31, %dot_general3A_32 {dimension_numbers = #tpu.dot_dimension_numbers<[1], [0], [0], [1], [0, 0, 1, 1], [], []>, transpose_lhs_hint = false} : vector<128x2048xbf16>, vector<2048x1024xbf16>, vector<128x1024xf32> -> vector<128x1024xf32>
    %get3A_34 = arith.constant 0 : index
    %get3A_35 = arith.constant 0 : index
    %get3A_36 = vector.load %arg15[%get3A_34, %get3A_35] : memref<1x1024xf32, #tpu.memory_space<vmem>>, vector<1x1024xf32>
    %add3A_37 = vector.broadcast %get3A_36 : vector<1x1024xf32> to vector<128x1024xf32>
    %add3A_38 = arith.addf %dot_general3A_33, %add3A_37 : vector<128x1024xf32>
    %get3A_39 = arith.constant 0 : index
    %get3A_40 = arith.constant 0 : index
    %get3A_41 = arith.constant 0 : index
    %get3A_42 = vector.load %arg2[%get3A_39, %get3A_40, %get3A_41] : memref<1x1024x512xf32, #tpu.memory_space<vmem>>, vector<1x1024x512xf32>
    %get3A_43 = vector.shape_cast %get3A_42 : vector<1x1024x512xf32> to vector<1024x512xf32>
    %convert_element_type3A_44 = arith.truncf %get3A_43 : vector<1024x512xf32> to vector<1024x512xbf16>
    %dot_general3A_45 = arith.constant dense<0.000000e+00> : vector<128x512xf32>
    %dot_general3A_46 = tpu.matmul %convert_element_type3A, %convert_element_type3A_44, %dot_general3A_45 {dimension_numbers = #tpu.dot_dimension_numbers<[1], [0], [0], [1], [0, 0, 1, 1], [], []>, transpose_lhs_hint = false} : vector<128x1024xbf16>, vector<1024x512xbf16>, vector<128x512xf32> -> vector<128x512xf32>
    %get3A_47 = arith.constant 0 : index
    %get3A_48 = arith.constant 0 : index
    %get3A_49 = arith.constant 0 : index
    %get3A_50 = vector.load %arg3[%get3A_47, %get3A_48, %get3A_49] : memref<1x1x512xf32, #tpu.memory_space<vmem>>, vector<1x1x512xf32>
    %get3A_51 = vector.shape_cast %get3A_50 : vector<1x1x512xf32> to vector<1x512xf32>
    %add3A_52 = vector.broadcast %get3A_51 : vector<1x512xf32> to vector<128x512xf32>
    %add3A_53 = arith.addf %dot_general3A_46, %add3A_52 : vector<128x512xf32>
    %mul3A_54 = arith.constant 5.000000e-01 : f32
    %mul3A_55 = vector.broadcast %mul3A_54 : f32 to vector<128x512xf32>
    %mul3A_56 = arith.mulf %mul3A_55, %add3A_53 : vector<128x512xf32>
    %mul3A_57 = arith.constant 0.707106769 : f32
    %mul3A_58 = vector.broadcast %mul3A_57 : f32 to vector<128x512xf32>
    %mul3A_59 = arith.mulf %add3A_53, %mul3A_58 : vector<128x512xf32>
    %erf3A = math.erf %mul3A_59 : vector<128x512xf32>
    %add3A_60 = arith.constant 1.000000e+00 : f32
    %add3A_61 = vector.broadcast %add3A_60 : f32 to vector<128x512xf32>
    %add3A_62 = arith.addf %add3A_61, %erf3A : vector<128x512xf32>
    %mul3A_63 = arith.mulf %mul3A_56, %add3A_62 : vector<128x512xf32>
    %convert_element_type3A_64 = arith.truncf %mul3A_63 : vector<128x512xf32> to vector<128x512xbf16>
    %get3A_65 = arith.constant 0 : index
    %get3A_66 = arith.constant 0 : index
    %get3A_67 = arith.constant 0 : index
    %get3A_68 = vector.load %arg4[%get3A_65, %get3A_66, %get3A_67] : memref<1x512x1024xf32, #tpu.memory_space<vmem>>, vector<1x512x1024xf32>
    %get3A_69 = vector.shape_cast %get3A_68 : vector<1x512x1024xf32> to vector<512x1024xf32>
    %convert_element_type3A_70 = arith.truncf %get3A_69 : vector<512x1024xf32> to vector<512x1024xbf16>
    %dot_general3A_71 = arith.constant dense<0.000000e+00> : vector<128x1024xf32>
    %dot_general3A_72 = tpu.matmul %convert_element_type3A_64, %convert_element_type3A_70, %dot_general3A_71 {dimension_numbers = #tpu.dot_dimension_numbers<[1], [0], [0], [1], [0, 0, 1, 1], [], []>, transpose_lhs_hint = false} : vector<128x512xbf16>, vector<512x1024xbf16>, vector<128x1024xf32> -> vector<128x1024xf32>
    %get3A_73 = arith.constant 0 : index
    %get3A_74 = arith.constant 0 : index
    %get3A_75 = arith.constant 0 : index
    %get3A_76 = vector.load %arg5[%get3A_73, %get3A_74, %get3A_75] : memref<1x1x1024xf32, #tpu.memory_space<vmem>>, vector<1x1x1024xf32>
    %get3A_77 = vector.shape_cast %get3A_76 : vector<1x1x1024xf32> to vector<1x1024xf32>
    %add3A_78 = vector.broadcast %get3A_77 : vector<1x1024xf32> to vector<128x1024xf32>
    %add3A_79 = arith.addf %dot_general3A_72, %add3A_78 : vector<128x1024xf32>
    %get3A_80 = arith.constant 0 : index
    %get3A_81 = arith.constant 0 : index
    %get3A_82 = arith.constant 0 : index
    %get3A_83 = vector.load %arg6[%get3A_80, %get3A_81, %get3A_82] : memref<1x1024x512xf32, #tpu.memory_space<vmem>>, vector<1x1024x512xf32>
    %get3A_84 = vector.shape_cast %get3A_83 : vector<1x1024x512xf32> to vector<1024x512xf32>
    %convert_element_type3A_85 = arith.truncf %get3A_84 : vector<1024x512xf32> to vector<1024x512xbf16>
    %dot_general3A_86 = arith.constant dense<0.000000e+00> : vector<128x512xf32>
    %dot_general3A_87 = tpu.matmul %convert_element_type3A, %convert_element_type3A_85, %dot_general3A_86 {dimension_numbers = #tpu.dot_dimension_numbers<[1], [0], [0], [1], [0, 0, 1, 1], [], []>, transpose_lhs_hint = false} : vector<128x1024xbf16>, vector<1024x512xbf16>, vector<128x512xf32> -> vector<128x512xf32>
    %get3A_88 = arith.constant 0 : index
    %get3A_89 = arith.constant 0 : index
    %get3A_90 = arith.constant 0 : index
    %get3A_91 = vector.load %arg7[%get3A_88, %get3A_89, %get3A_90] : memref<1x1x512xf32, #tpu.memory_space<vmem>>, vector<1x1x512xf32>
    %get3A_92 = vector.shape_cast %get3A_91 : vector<1x1x512xf32> to vector<1x512xf32>
    %add3A_93 = vector.broadcast %get3A_92 : vector<1x512xf32> to vector<128x512xf32>
    %add3A_94 = arith.addf %dot_general3A_87, %add3A_93 : vector<128x512xf32>
    %mul3A_95 = arith.constant 5.000000e-01 : f32
    %mul3A_96 = vector.broadcast %mul3A_95 : f32 to vector<128x512xf32>
    %mul3A_97 = arith.mulf %mul3A_96, %add3A_94 : vector<128x512xf32>
    %mul3A_98 = arith.constant 0.707106769 : f32
    %mul3A_99 = vector.broadcast %mul3A_98 : f32 to vector<128x512xf32>
    %mul3A_100 = arith.mulf %add3A_94, %mul3A_99 : vector<128x512xf32>
    %erf3A_101 = math.erf %mul3A_100 : vector<128x512xf32>
    %add3A_102 = arith.constant 1.000000e+00 : f32
    %add3A_103 = vector.broadcast %add3A_102 : f32 to vector<128x512xf32>
    %add3A_104 = arith.addf %add3A_103, %erf3A_101 : vector<128x512xf32>
    %mul3A_105 = arith.mulf %mul3A_97, %add3A_104 : vector<128x512xf32>
    %convert_element_type3A_106 = arith.truncf %mul3A_105 : vector<128x512xf32> to vector<128x512xbf16>
    %get3A_107 = arith.constant 0 : index
    %get3A_108 = arith.constant 0 : index
    %get3A_109 = arith.constant 0 : index
    %get3A_110 = vector.load %arg8[%get3A_107, %get3A_108, %get3A_109] : memref<1x512x1024xf32, #tpu.memory_space<vmem>>, vector<1x512x1024xf32>
    %get3A_111 = vector.shape_cast %get3A_110 : vector<1x512x1024xf32> to vector<512x1024xf32>
    %convert_element_type3A_112 = arith.truncf %get3A_111 : vector<512x1024xf32> to vector<512x1024xbf16>
    %dot_general3A_113 = arith.constant dense<0.000000e+00> : vector<128x1024xf32>
    %dot_general3A_114 = tpu.matmul %convert_element_type3A_106, %convert_element_type3A_112, %dot_general3A_113 {dimension_numbers = #tpu.dot_dimension_numbers<[1], [0], [0], [1], [0, 0, 1, 1], [], []>, transpose_lhs_hint = false} : vector<128x512xbf16>, vector<512x1024xbf16>, vector<128x1024xf32> -> vector<128x1024xf32>
    %get3A_115 = arith.constant 0 : index
    %get3A_116 = arith.constant 0 : index
    %get3A_117 = arith.constant 0 : index
    %get3A_118 = vector.load %arg9[%get3A_115, %get3A_116, %get3A_117] : memref<1x1x1024xf32, #tpu.memory_space<vmem>>, vector<1x1x1024xf32>
    %get3A_119 = vector.shape_cast %get3A_118 : vector<1x1x1024xf32> to vector<1x1024xf32>
    %add3A_120 = vector.broadcast %get3A_119 : vector<1x1024xf32> to vector<128x1024xf32>
    %add3A_121 = arith.addf %dot_general3A_114, %add3A_120 : vector<128x1024xf32>
    %mul3A_122 = arith.constant 5.000000e-01 : f32
    %mul3A_123 = vector.broadcast %mul3A_122 : f32 to vector<128x1024xf32>
    %mul3A_124 = arith.mulf %mul3A_123, %add3A_38 : vector<128x1024xf32>
    %add3A_125 = arith.addf %add3A_79, %add3A_121 : vector<128x1024xf32>
    %mul3A_126 = arith.constant 2.500000e-01 : f32
    %mul3A_127 = vector.broadcast %mul3A_126 : f32 to vector<128x1024xf32>
    %mul3A_128 = arith.mulf %mul3A_127, %add3A_125 : vector<128x1024xf32>
    %add3A_129 = arith.addf %mul3A_124, %mul3A_128 : vector<128x1024xf32>
    %swap3A = arith.constant 0 : index
    %swap3A_130 = arith.constant 0 : index
    %swap3A_131 = arith.constant 0 : index
    %swap3A_132 = vector.load %arg16[%swap3A, %swap3A_130, %swap3A_131] : memref<1x128x1024xf32, #tpu.memory_space<vmem>>, vector<1x128x1024xf32>
    %swap3A_133 = vector.shape_cast %swap3A_132 : vector<1x128x1024xf32> to vector<128x1024xf32>
    %swap3A_134 = vector.shape_cast %add3A_129 : vector<128x1024xf32> to vector<1x128x1024xf32>
    tpu.vector_store %arg16[%swap3A, %swap3A_130, %swap3A_131], %swap3A_134 {strides = array<i32>} : memref<1x128x1024xf32, #tpu.memory_space<vmem>>, vector<1x128x1024xf32>,
    return
  }
  func.func @transform_0(%arg0: i32) -> (i32, i32, i32) {
    %c0_i32 = arith.constant 0 : i32
    %c0_i32_0 = arith.constant 0 : i32
    %c0_i32_1 = arith.constant 0 : i32
    return %arg0, %c0_i32, %c0_i32_0 : i32, i32, i32
  }
  func.func @transform_1(%arg0: i32) -> (i32, i32, i32) {
    %mul3A = arith.constant 3 : i32
    %mul3A_0 = arith.muli %mul3A, %arg0 : i32
    %jit3A = arith.constant 64 : i32
    %eq3A = arith.constant 0 : i32
    %eq3A_1 = arith.cmpi eq, %jit3A, %eq3A : i32
    %jit3A_2 = arith.constant 1 : i32
    %select_n3A = arith.select %eq3A_1, %jit3A_2, %jit3A : i32
    %rem3A = arith.remsi %mul3A_0, %select_n3A : i32
    %ne3A = arith.constant 0 : i32
    %ne3A_3 = arith.cmpi ne, %rem3A, %ne3A : i32
    %lt3A = arith.constant 0 : i32
    %lt3A_4 = arith.cmpi slt, %rem3A, %lt3A : i32
    %lt3A_5 = arith.constant 0 : i32
    %lt3A_6 = arith.cmpi slt, %select_n3A, %lt3A_5 : i32
    %ne3A_7 = arith.xori %lt3A_4, %lt3A_6 : i1
    %and3A = arith.andi %ne3A_7, %ne3A_3 : i1
    %add3A = arith.addi %rem3A, %select_n3A : i32
    %select_n3A_8 = arith.select %and3A, %add3A, %rem3A : i32
    %c0_i32 = arith.constant 0 : i32
    %c0_i32_9 = arith.constant 0 : i32
    %c0_i32_10 = arith.constant 0 : i32
    return %select_n3A_8, %c0_i32, %c0_i32_9 : i32, i32, i32
  }
  func.func @transform_2(%arg0: i32) -> (i32, i32, i32) {
    %mul3A = arith.constant 3 : i32
    %mul3A_0 = arith.muli %mul3A, %arg0 : i32
    %jit3A = arith.constant 64 : i32
    %eq3A = arith.constant 0 : i32
    %eq3A_1 = arith.cmpi eq, %jit3A, %eq3A : i32
    %jit3A_2 = arith.constant 1 : i32
    %select_n3A = arith.select %eq3A_1, %jit3A_2, %jit3A : i32
    %rem3A = arith.remsi %mul3A_0, %select_n3A : i32
    %ne3A = arith.constant 0 : i32
    %ne3A_3 = arith.cmpi ne, %rem3A, %ne3A : i32
    %lt3A = arith.constant 0 : i32
    %lt3A_4 = arith.cmpi slt, %rem3A, %lt3A : i32
    %lt3A_5 = arith.constant 0 : i32
    %lt3A_6 = arith.cmpi slt, %select_n3A, %lt3A_5 : i32
    %ne3A_7 = arith.xori %lt3A_4, %lt3A_6 : i1
    %and3A = arith.andi %ne3A_7, %ne3A_3 : i1
    %add3A = arith.addi %rem3A, %select_n3A : i32
    %select_n3A_8 = arith.select %and3A, %add3A, %rem3A : i32
    %c0_i32 = arith.constant 0 : i32
    %c0_i32_9 = arith.constant 0 : i32
    %c0_i32_10 = arith.constant 0 : i32
    return %select_n3A_8, %c0_i32, %c0_i32_9 : i32, i32, i32
  }
  func.func @transform_3(%arg0: i32) -> (i32, i32, i32) {
    %mul3A = arith.constant 3 : i32
    %mul3A_0 = arith.muli %mul3A, %arg0 : i32
    %jit3A = arith.constant 64 : i32
    %eq3A = arith.constant 0 : i32
    %eq3A_1 = arith.cmpi eq, %jit3A, %eq3A : i32
    %jit3A_2 = arith.constant 1 : i32
    %select_n3A = arith.select %eq3A_1, %jit3A_2, %jit3A : i32
    %rem3A = arith.remsi %mul3A_0, %select_n3A : i32
    %ne3A = arith.constant 0 : i32
    %ne3A_3 = arith.cmpi ne, %rem3A, %ne3A : i32
    %lt3A = arith.constant 0 : i32
    %lt3A_4 = arith.cmpi slt, %rem3A, %lt3A : i32
    %lt3A_5 = arith.constant 0 : i32
    %lt3A_6 = arith.cmpi slt, %select_n3A, %lt3A_5 : i32
    %ne3A_7 = arith.xori %lt3A_4, %lt3A_6 : i1
    %and3A = arith.andi %ne3A_7, %ne3A_3 : i1
    %add3A = arith.addi %rem3A, %select_n3A : i32
    %select_n3A_8 = arith.select %and3A, %add3A, %rem3A : i32
    %c0_i32 = arith.constant 0 : i32
    %c0_i32_9 = arith.constant 0 : i32
    %c0_i32_10 = arith.constant 0 : i32
    return %select_n3A_8, %c0_i32, %c0_i32_9 : i32, i32, i32
  }
  func.func @transform_4(%arg0: i32) -> (i32, i32, i32) {
    %mul3A = arith.constant 3 : i32
    %mul3A_0 = arith.muli %mul3A, %arg0 : i32
    %jit3A = arith.constant 64 : i32
    %eq3A = arith.constant 0 : i32
    %eq3A_1 = arith.cmpi eq, %jit3A, %eq3A : i32
    %jit3A_2 = arith.constant 1 : i32
    %select_n3A = arith.select %eq3A_1, %jit3A_2, %jit3A : i32
    %rem3A = arith.remsi %mul3A_0, %select_n3A : i32
    %ne3A = arith.constant 0 : i32
    %ne3A_3 = arith.cmpi ne, %rem3A, %ne3A : i32
    %lt3A = arith.constant 0 : i32
    %lt3A_4 = arith.cmpi slt, %rem3A, %lt3A : i32
    %lt3A_5 = arith.constant 0 : i32
    %lt3A_6 = arith.cmpi slt, %select_n3A, %lt3A_5 : i32
    %ne3A_7 = arith.xori %lt3A_4, %lt3A_6 : i1
    %and3A = arith.andi %ne3A_7, %ne3A_3 : i1
    %add3A = arith.addi %rem3A, %select_n3A : i32
    %select_n3A_8 = arith.select %and3A, %add3A, %rem3A : i32
    %c0_i32 = arith.constant 0 : i32
    %c0_i32_9 = arith.constant 0 : i32
    %c0_i32_10 = arith.constant 0 : i32
    return %select_n3A_8, %c0_i32, %c0_i32_9 : i32, i32, i32
  }
  func.func @transform_5(%arg0: i32) -> (i32, i32, i32) {
    %mul3A = arith.constant 3 : i32
    %mul3A_0 = arith.muli %mul3A, %arg0 : i32
    %add3A = arith.constant 47 : i32
    %add3A_1 = arith.addi %mul3A_0, %add3A : i32
    %jit3A = arith.constant 64 : i32
    %eq3A = arith.constant 0 : i32
    %eq3A_2 = arith.cmpi eq, %jit3A, %eq3A : i32
    %jit3A_3 = arith.constant 1 : i32
    %select_n3A = arith.select %eq3A_2, %jit3A_3, %jit3A : i32
    %rem3A = arith.remsi %add3A_1, %select_n3A : i32
    %ne3A = arith.constant 0 : i32
    %ne3A_4 = arith.cmpi ne, %rem3A, %ne3A : i32
    %lt3A = arith.constant 0 : i32
    %lt3A_5 = arith.cmpi slt, %rem3A, %lt3A : i32
    %lt3A_6 = arith.constant 0 : i32
    %lt3A_7 = arith.cmpi slt, %select_n3A, %lt3A_6 : i32
    %ne3A_8 = arith.xori %lt3A_5, %lt3A_7 : i1
    %and3A = arith.andi %ne3A_8, %ne3A_4 : i1
    %add3A_9 = arith.addi %rem3A, %select_n3A : i32
    %select_n3A_10 = arith.select %and3A, %add3A_9, %rem3A : i32
    %c0_i32 = arith.constant 0 : i32
    %c0_i32_11 = arith.constant 0 : i32
    %c0_i32_12 = arith.constant 0 : i32
    return %select_n3A_10, %c0_i32, %c0_i32_11 : i32, i32, i32
  }
  func.func @transform_6(%arg0: i32) -> (i32, i32, i32) {
    %mul3A = arith.constant 3 : i32
    %mul3A_0 = arith.muli %mul3A, %arg0 : i32
    %add3A = arith.constant 47 : i32
    %add3A_1 = arith.addi %mul3A_0, %add3A : i32
    %jit3A = arith.constant 64 : i32
    %eq3A = arith.constant 0 : i32
    %eq3A_2 = arith.cmpi eq, %jit3A, %eq3A : i32
    %jit3A_3 = arith.constant 1 : i32
    %select_n3A = arith.select %eq3A_2, %jit3A_3, %jit3A : i32
    %rem3A = arith.remsi %add3A_1, %select_n3A : i32
    %ne3A = arith.constant 0 : i32
    %ne3A_4 = arith.cmpi ne, %rem3A, %ne3A : i32
    %lt3A = arith.constant 0 : i32
    %lt3A_5 = arith.cmpi slt, %rem3A, %lt3A : i32
    %lt3A_6 = arith.constant 0 : i32
    %lt3A_7 = arith.cmpi slt, %select_n3A, %lt3A_6 : i32
    %ne3A_8 = arith.xori %lt3A_5, %lt3A_7 : i1
    %and3A = arith.andi %ne3A_8, %ne3A_4 : i1
    %add3A_9 = arith.addi %rem3A, %select_n3A : i32
    %select_n3A_10 = arith.select %and3A, %add3A_9, %rem3A : i32
    %c0_i32 = arith.constant 0 : i32
    %c0_i32_11 = arith.constant 0 : i32
    %c0_i32_12 = arith.constant 0 : i32
    return %select_n3A_10, %c0_i32, %c0_i32_11 : i32, i32, i32
  }
  func.func @transform_7(%arg0: i32) -> (i32, i32, i32) {
    %mul3A = arith.constant 3 : i32
    %mul3A_0 = arith.muli %mul3A, %arg0 : i32
    %add3A = arith.constant 47 : i32
    %add3A_1 = arith.addi %mul3A_0, %add3A : i32
    %jit3A = arith.constant 64 : i32
    %eq3A = arith.constant 0 : i32
    %eq3A_2 = arith.cmpi eq, %jit3A, %eq3A : i32
    %jit3A_3 = arith.constant 1 : i32
    %select_n3A = arith.select %eq3A_2, %jit3A_3, %jit3A : i32
    %rem3A = arith.remsi %add3A_1, %select_n3A : i32
    %ne3A = arith.constant 0 : i32
    %ne3A_4 = arith.cmpi ne, %rem3A, %ne3A : i32
    %lt3A = arith.constant 0 : i32
    %lt3A_5 = arith.cmpi slt, %rem3A, %lt3A : i32
    %lt3A_6 = arith.constant 0 : i32
    %lt3A_7 = arith.cmpi slt, %select_n3A, %lt3A_6 : i32
    %ne3A_8 = arith.xori %lt3A_5, %lt3A_7 : i1
    %and3A = arith.andi %ne3A_8, %ne3A_4 : i1
    %add3A_9 = arith.addi %rem3A, %select_n3A : i32
    %select_n3A_10 = arith.select %and3A, %add3A_9, %rem3A : i32
    %c0_i32 = arith.constant 0 : i32
    %c0_i32_11 = arith.constant 0 : i32
    %c0_i32_12 = arith.constant 0 : i32
    return %select_n3A_10, %c0_i32, %c0_i32_11 : i32, i32, i32
  }
  func.func @transform_8(%arg0: i32) -> (i32, i32, i32) {
    %mul3A = arith.constant 3 : i32
    %mul3A_0 = arith.muli %mul3A, %arg0 : i32
    %add3A = arith.constant 47 : i32
    %add3A_1 = arith.addi %mul3A_0, %add3A : i32
    %jit3A = arith.constant 64 : i32
    %eq3A = arith.constant 0 : i32
    %eq3A_2 = arith.cmpi eq, %jit3A, %eq3A : i32
    %jit3A_3 = arith.constant 1 : i32
    %select_n3A = arith.select %eq3A_2, %jit3A_3, %jit3A : i32
    %rem3A = arith.remsi %add3A_1, %select_n3A : i32
    %ne3A = arith.constant 0 : i32
    %ne3A_4 = arith.cmpi ne, %rem3A, %ne3A : i32
    %lt3A = arith.constant 0 : i32
    %lt3A_5 = arith.cmpi slt, %rem3A, %lt3A : i32
    %lt3A_6 = arith.constant 0 : i32
    %lt3A_7 = arith.cmpi slt, %select_n3A, %lt3A_6 : i32
    %ne3A_8 = arith.xori %lt3A_5, %lt3A_7 : i1
    %and3A = arith.andi %ne3A_8, %ne3A_4 : i1
    %add3A_9 = arith.addi %rem3A, %select_n3A : i32
    %select_n3A_10 = arith.select %and3A, %add3A_9, %rem3A : i32
    %c0_i32 = arith.constant 0 : i32
    %c0_i32_11 = arith.constant 0 : i32
    %c0_i32_12 = arith.constant 0 : i32
    return %select_n3A_10, %c0_i32, %c0_i32_11 : i32, i32, i32
  }
  func.func @transform_9(%arg0: i32) -> (i32, i32) {
    %c0_i32 = arith.constant 0 : i32
    %c0_i32_0 = arith.constant 0 : i32
    %c0_i32_1 = arith.constant 0 : i32
    return %c0_i32, %c0_i32_0 : i32, i32
  }
  func.func @transform_10(%arg0: i32) -> (i32, i32) {
    %c0_i32 = arith.constant 0 : i32
    %c0_i32_0 = arith.constant 0 : i32
    %c0_i32_1 = arith.constant 0 : i32
    return %c0_i32, %c0_i32_0 : i32, i32
  }
  func.func @transform_11(%arg0: i32) -> (i32, i32) {
    %c0_i32 = arith.constant 0 : i32
    %c0_i32_0 = arith.constant 0 : i32
    %c0_i32_1 = arith.constant 0 : i32
    return %c0_i32, %c0_i32_0 : i32, i32
  }
  func.func @transform_12(%arg0: i32) -> (i32, i32) {
    %c0_i32 = arith.constant 0 : i32
    %c0_i32_0 = arith.constant 0 : i32
    %c0_i32_1 = arith.constant 0 : i32
    return %c0_i32, %c0_i32_0 : i32, i32
  }
  func.func @transform_13(%arg0: i32) -> (i32, i32) {
    %c0_i32 = arith.constant 0 : i32
    %c0_i32_0 = arith.constant 0 : i32
    %c0_i32_1 = arith.constant 0 : i32
    return %c0_i32, %c0_i32_0 : i32, i32
  }
  func.func @transform_14(%arg0: i32) -> (i32, i32) {
    %c0_i32 = arith.constant 0 : i32
    %c0_i32_0 = arith.constant 0 : i32
    %c0_i32_1 = arith.constant 0 : i32
    return %c0_i32, %c0_i32_0 : i32, i32
  }
  func.func @transform_15(%arg0: i32) -> (i32, i32, i32) {
    %c0_i32 = arith.constant 0 : i32
    %c0_i32_0 = arith.constant 0 : i32
    %c0_i32_1 = arith.constant 0 : i32
    return %arg0, %c0_i32, %c0_i32_0 : i32, i32, i32
  }
}

</mosaic_0001>

<sc_bundles>
// kernel: sparse-core-data-format-call.1.cloned.1.call-start
scs
called_computation.1_lowered:
.L_overlay_start_0:
0x0: {  	s2 =	sld [smem:$0x3FD9]  }
0x1: {  	s3 =	sld [smem:$0x3FFE];
	_ =	sdelay $0x1  }
0x2: {  	s1 =	srdreg.scid  }
0x3: {  	s0 =	sand.u32 $0x1, s1  }
0x4: {  	s19 =	sshll.u32 s0, $0xA;
	s2 =	sadd.s32 s3, s2  }
0x5: {  	s2 =	sadd.s32 s2, s19  }
0x6: {  	[smem:$0x3FBD] =	sst s2  }
0x7: {  	_ = 	snop  }
0x8: {  	s2 =	sld [smem:$0x3FC9]  }
0x9: {  	s20 =	sld [smem:$0x3FD0];
	(tm) =	ssettm $0x1  }
0xa: {  	s4 =	sld [smem:$0x3FFB];
	_ =	sdelay $0x3  }
0xb: {  	_ =	strace s4  }
0xc: {  	s4 =	sld [smem:$0x3FFC];
	_ =	sdelay $0x3  }
0xd: {  	_ =	strace s4  }
0xe: {  	s4 =	sld [smem:$0x3FFD];
	_ =	sdelay $0x3  }
0xf: {  	_ =	strace s4  }
0x10: {  	_ =	strace $0x8FFFFFFF  }
0x11: {  	s21 =	sld [smem:$0x3FDB];
	_ =	sdelay $0x1  }
0x12: {  	s5 =	simm.s32 $_scs_section_size  }
0x13: {  	s6 =	simm.s32 $_size__tile_overlayer_lowered;
	s7 =	simm.s32 $_tile_overlayer_lowered  }
0x14: {  	s24 =	simm.s32 $0x1BFF;
	s23 =	sshll.u32 s7, $0x1;
	s4 =	sadd.s32 s5, s21  }
0x15: {  	s8 =	simm.s32 $0x0;
	s22 =	sshll.u32 s6, $0x1;
	s6 =	sadd.s32 s23, s4  }
0x16: {  	[timem:s8], [sflag:s24] =	dma.local [hbm:s6], s22  }
0x17: {  	_ =	swait.ge [sflag:s24], s22  }
0x18: {  	s5 =	ssub.s32 $0x0, s22;
	[sflag:s24] =	ssyncset.done $0x0  }
0x19: {  	[sflag:s24] =	ssyncadd.s32 s5;
	_ =	sdelay $0x1  }
0x1a: {  	s25 =	simm.s32 $0x1B8B  }
0x1b: {  	_ =	swait.ge [sflag:s25], $0x1  }
0x1c: {  	[sflag:s25] =	ssyncset.done $0x0  }
0x1d: {  	s26 =	simm.s32 $0x1B8E;
	[sflag:s25] =	ssyncadd.s32 $0xFFFFFFFF  }
0x1e: {  	s27 =	simm.s32 $execute0_lowered;
	[smem:$0x3FD2] =	sst s26  }
0x1f: {  	s5 =	sshll.u32 s27, $0x1;
	_ =	strace $0x80000046;
	[dreg:$0x1] =	wrdreg $0xFFFFFFFF  }
0x20: {  	s28 =	simm.s32 $_size_execute0_lowered;
	s4 =	sadd.s32 s4, s5;
	[dreg:$0x0] =	wrdreg $0x0  }
0x21: {  	s5 =	sshll.u32 s28, $0x1;
	[dreg:$0x2] =	wrdreg s4  }
0x22: {  	[dreg:$0x3] =	wrdreg s5  }
0x23: {  	[dreg:$0x4] =	wrdreg $0xC0  }
0x24: {  	_ =	task [dreg:s8], $0x5FFFF  }
0x25: {  	[dreg:$0x1] =	wrdreg $0xFFFFFFFF  }
0x26: {  	[dreg:$0x0] =	wrdreg $0x60  }
0x27: {  	[dreg:$0x2] =	wrdreg s2  }
0x28: {  	[dreg:$0x3] =	wrdreg s20  }
0x29: {  	[dreg:$0x4] =	wrdreg $0x9  }
0x2a: {  	_ =	task.clear_ibuf [dreg:s8], $0x5FFFF;
	_ =	strace $0x90000046  }
0x2b: {  	s29 =	simm.s32 $0x9;
	_ =	strace $0x80000048  }
0x2c: {  	_ =	swait.ge [sflag:s29], $0x1  }
0x2d: {  	[sflag:s29] =	ssyncadd.s32 $0xFFFFFFFF  }
0x2e: {  	_ =	strace $0x90000048  }
0x2f: {  	_ =	sfence  }
0x30: {  	s30 =	sld [smem:$0x0];
	_ =	sdelay $0x2  }
0x31: {  	s31 =	sshll.u32 s1, $0xD;
	s1 =	sshrl.u32 s1, $0x2  }
0x32: {  	s3 =	sand.u32 $0x4000, s31;
	s1 =	sadd.s32 s1, s30  }
0x33: {  	s0 =	sor.u32 s3, s0;
	s1 =	sshll.u32 s1, $0x11  }
0x34: {  	s0 =	sor.u32 s1, s0  }
0x35: {  	s0 =	sadd.s32 $0x8F2B, s0  }
0x36: {  	[sflag:s0] =	ssyncadd.remote.s32 $0x1  }
0x37: {  	_ =	sfence.sel $0xFFFF  }
0x38: {  	[dreg:$0x0] =	wrdreg $0xFFFFFFFF;
	(pc) =	sbr.abs _section_cstart, $3  }
0x39: {  	[dreg:$0x1] =	wrdreg $0xFFFFFFFF  }
0x3a: {  	_ =	task.clear_ibuf [dreg:s8], $0x2FFFF;
	_ =	strace $0x9FFFFFFF  }
0x3b: {  	(tm) =	ssettm $0x7FFFFFFF  }
tec
execute0_lowered:
.L_overlay_start_1:
0x0: {  	(tag) =	ssettag $0x1  }
0x1: {  	s0 =	srdreg.scid;
	s2 =	rddreg [dreg:$0x0]  }
0x2: {  	s4 =	rddreg [dreg:$0x1];
	s1 =	sshll.u32 s0, $0x4  }
0x3: {  	s7 =	simm.s32 $0x1;
	s0 =	stileid.u32;
	s1 =	sand.u32 $0x10, s1  }
0x4: {  	s8 =	simm.s32 $0x2;
	s14 =	simm.s32 $0x0;
	s1 =	sor.u32 s0, s1  }
0x5: {  	s9 =	simm.s32 $0x0;
	s15 =	simm.s32 $0x0;
	s3 =	sshll.u32 s1, $0x1  }
0x6: {  	s16 =	simm.s32 $0x0;
	s10 =	simm.s32 $0x0;
	s6 =	ssub.s32 $0x80, s3  }
0x7: {  	s11 =	simm.s32 $0x0;
	s13 =	simm.s32 $0x0;
	s5 =	sand.u32 $0x3E, s6  }
.Ltmp0:
0x8: {  	s23 =	simm.s32 $0x0;
	p0 =	sne.s32 s5, $0x0;
	(pc) =	sbr.rel .LBB1_1-.Ltmp0, $4  }
0x9: {  	s1 =	rddreg [dreg:$0x2];
	s6 =	sshrl.u32 s6, $0x6;
	s7 =	simm.s32 @!p0 $0x0  }
0xa: {  	_ =	strace $0x80000047;
	s5 =	simm.s32 $0x1;
	s6 =	sadd.s32 s7, s6  }
0xb: {  	s12 =	smov.u32 s3;
	[sflag:s5] =	ssyncpa.u1 $0x0;
	s6 =	sshll.u32 s6, $0x3  }
0xc: {  	[sflag:s8] =	ssyncpa.u1 $0x0;
	s8 =	simm.s32 $0x20000;
	s7 =	sor.u32 $0x1, s6  }
.LBB1_7:
0xd: {  	s17 =	sadd.s32 $0x80, s10  }
0xe: {  	s14 =	sadd.s32 $0x40, s11;
	s18 =	smov.u32 s11;
	p1 =	sgt.s32 s17, $0x3FF  }
0xf: {  	s18 =	smov.u32 @p1 s14  }
0x10: {  	s20 =	smov.u32 s12;
	s14 =	sadd.s32 $0x40, s12;
	p2 =	sgt.s32 s18, $0x3F  }
0x11: {  	s20 =	smov.u32 @p2 s14  }
0x12: {  	s17 =	simm.s32 @p1 $0x0;
	p1 =	sgt.s32 s20, $0x7F  }
0x13: {  	p0 =	slt.u32 s13, $0x2;
	s20 =	smov.u32 @p1 s3;
	p1 =	sne.s32 s13, s7  }
.Ltmp1:
0x14: {  	s19 =	simm.s32 @!p0 $0x2;
	(pc) =	sbr.rel @!p1 .LBB1_8-.Ltmp1, $4  }
0x15: {  	s15 =	smov.u32 s11;
	s16 =	smov.u32 s12;
	_ =	swait.ge @!p0 [sflag:s19], $0x4000  }
0x16: {  	s9 =	sadd.s32 $0x4000, s9;
	[sflag:s19] =	ssyncset.done @!p0 $0x0;
	s18 =	simm.s32 @p2 $0x0  }
0x17: {  	s14 =	smov.u32 s10;
	[sflag:s19] =	ssyncadd.s32 @!p0 $0xFFFFC000;
	s10 =	smov.u32 s17  }
0x18: {  	s11 =	smov.u32 s18;
	s13 =	sadd.s32 $0x1, s13;
	s12 =	smov.u32 s20  }
.LBB1_1:
0x19: {  	p0 =	sge.u32 s13, s6  }
0x1a: {  	s31 =	sadd.s32 $0xFFFFFFFF, s13;
	s17 =	sshll.u32 @!p0 s11, $0x7  }
0x1b: {  	s18 =	sxor.u32 @!p0 $0xFFFFFFFF, s13;
	s19 =	sand.u32 @!p0 $0x78, s10;
	s20 =	sand.u32 @!p0 $0x380, s17  }
0x1c: {  	s18 =	sshll.u32 @!p0 s18, $0xE;
	s19 =	sor.u32 @!p0 s19, s20;
	s20 =	sshll.u32 @!p0 s12, $0xD  }
0x1d: {  	s17 =	sand.u32 @!p0 $0x1C00, s17;
	s19 =	sshrl.u32 @!p0 s19, $0x3;
	s20 =	sadd.s32 @!p0 s2, s20  }
0x1e: {  	s17 =	sadd.s32 @!p0 s10, s17;
	s19 =	sadd.s32 @!p0 s19, s20;
	s20 =	sand.u32 @!p0 $0x7, s10  }
0x1f: {  	s18 =	sand.u32 @!p0 $0x4000, s18;
	s17 =	sand.u32 @!p0 $0x1F80, s17;
	s20 =	sshll.u32 @!p0 s20, $0x12  }
0x20: {  	s17 =	sadd.s32 @!p0 s17, s19;
	s19 =	sor.u32 @!p0 $0x400, s20;
	s20 =	simm.s32 @!p0 $0x2000  }
0x21: {  	[tilespmem:s18], [sflag:$0x1] =	stream.strided.gather @!p0 [hbm4b:s17+s19], $0x4000, s20, s19, $0x38;
	[tilespmem:$0x10000] =	vst v63  }
0x22: {  	p0 =	sge.u32 s31, s6  }
.Ltmp2:
0x23: {  	_ = 	snop;
	(pc) =	sbr.rel @p0 .LBB1_7-.Ltmp2, $1  }
0x24: {  	_ =	sdelay $0x3  }
0x25: {  	s17 =	sshll.u32 s9, $0x2  }
0x26: {  	_ =	swait.ge [sflag:s5], $0x4000;
	s18 =	sshll.u32 s13, $0xE;
	s20 =	simm.s32 $0x0  }
0x27: {  	p1 =	por $0x1, $0x1;
	s17 =	sand.u32 $0x10000, s17;
	[sflag:s5] =	ssyncset.done $0x0  }
0x28: {  	s18 =	sand.u32 $0x4000, s18;
	s19 =	sshrl.u32 s17, $0x2;
	[sflag:s5] =	ssyncadd.s32 $0xFFFFC000  }
0x29: {  	s17 =	sor.u32 $0x8000, s18;
	s18 =	sadd.s32 $0x8040, s19;
	s19 =	sadd.s32 $0x40, s19  }
.LBB1_3:
0x2a: {  	s21 =	sshll.u32 s20, $0xD  }
0x2b: {  	s21 =	sand.u32 $0x3FFFE000, s21  }
0x2c: {  	s21 =	sadd.s32 s21, s19  }
0x2d: {  	v0 =	vmov s21;
	_ =	sdelay $0x4  }
0x2e: {  	v6 =	vld.idx.msk [tilespmem:v0+s23+$0x30 ss:$0x1], $0xffff  }
0x2f: {  	v7 =	vld.idx.msk [tilespmem:v0+s23+$0xFFFFFFC0 ss:$0x1], $0xffff  }
0x30: {  	v1 =	vld.idx.msk [tilespmem:v0+s23+$0xFFFFFFD0 ss:$0x1], $0xffff  }
0x31: {  	s31 =	sshll.u32 s20, $0x7;
	v2 =	vld.idx.msk [tilespmem:v0+s23+$0xFFFFFFE0 ss:$0x1], $0xffff  }
0x32: {  	s20 =	sand.u32 $0x3FFFFF80, s31;
	v3 =	vld.idx.msk [tilespmem:v0+s23+$0xFFFFFFF0 ss:$0x1], $0xffff  }
0x33: {  	s20 =	sadd.s32 s20, s18;
	v4 =	vld.idx.msk [tilespmem:v0+s23+$0x0 ss:$0x1], $0xffff  }
0x34: {  	v5 =	vld.idx.msk [tilespmem:v0+s23+$0x10 ss:$0x1], $0xffff;
	[tilespmem:s20+$0x30] =	vst v6  }
0x35: {  	p0 =	por p1, p1;
	s22 =	simm.s32 $0x400;
	s21 =	simm.s32 $0x80;
	[tilespmem:s20+$0xFFFFFFC0] =	vst v7;
	v6 =	vld.idx.msk [tilespmem:v0+s23+$0x20 ss:$0x1], $0xffff  }
.LBB1_4:
0x36: {  	p1 =	sne.s32 s22, $0x7E00;
	v7 =	vld.idx.msk [tilespmem:v0+s21+$0x30 ss:$0x1], $0xffff;
	[tilespmem:s20+$0xFFFFFFD0] =	vst v1  }
0x37: {  	v8 =	vld.idx.msk [tilespmem:v0+s21+$0xFFFFFFC0 ss:$0x1], $0xffff;
	[tilespmem:s20+$0xFFFFFFE0] =	vst v2  }
0x38: {  	v1 =	vld.idx.msk [tilespmem:v0+s21+$0xFFFFFFD0 ss:$0x1], $0xffff;
	[tilespmem:s20+$0xFFFFFFF0] =	vst v3  }
.Ltmp3:
0x39: {  	v2 =	vld.idx.msk [tilespmem:v0+s21+$0xFFFFFFE0 ss:$0x1], $0xffff;
	[tilespmem:s20+$0x0] =	vst v4;
	(pc) =	sbr.rel @p1 .LBB1_4-.Ltmp3, $4  }
0x3a: {  	v3 =	vld.idx.msk [tilespmem:v0+s21+$0xFFFFFFF0 ss:$0x1], $0xffff;
	[tilespmem:s20+$0x10] =	vst v5  }
0x3b: {  	v4 =	vld.idx.msk [tilespmem:v0+s21+$0x0 ss:$0x1], $0xffff;
	[tilespmem:s20+$0x20] =	vst v6;
	s20 =	sadd.s32 $0x100, s20  }
0x3c: {  	v5 =	vld.idx.msk [tilespmem:v0+s21+$0x10 ss:$0x1], $0xffff;
	[tilespmem:s20+$0x30] =	vst v7  }
0x3d: {  	[tilespmem:s20+$0xFFFFFFC0] =	vst v8;
	v6 =	vld.idx.msk [tilespmem:v0+s21+$0x20 ss:$0x1], $0xffff;
	s21 =	sshra.s32 s22, $0x2;
	s22 =	sadd.s32 $0x200, s22  }
0x3e: {  	_ =	sdelay $0x2  }
0x3f: {  	[tilespmem:s20+$0xFFFFFFD0] =	vst v1  }
0x40: {  	v56 =	vld.idx.msk [tilespmem:v0+s21+$0x30 ss:$0x1], $0xffff;
	[tilespmem:s20+$0xFFFFFFE0] =	vst v2  }
0x41: {  	v57 =	vld.idx.msk [tilespmem:v0+s21+$0xFFFFFFC0 ss:$0x1], $0xffff;
	[tilespmem:s20+$0xFFFFFFF0] =	vst v3  }
0x42: {  	v58 =	vld.idx.msk [tilespmem:v0+s21+$0xFFFFFFD0 ss:$0x1], $0xffff;
	[tilespmem:s20+$0x0] =	vst v4  }
0x43: {  	v59 =	vld.idx.msk [tilespmem:v0+s21+$0xFFFFFFE0 ss:$0x1], $0xffff;
	[tilespmem:s20+$0x10] =	vst v5  }
0x44: {  	v60 =	vld.idx.msk [tilespmem:v0+s21+$0xFFFFFFF0 ss:$0x1], $0xffff;
	s31 =	sadd.s32 $0x100, s20;
	[tilespmem:s20+$0x20] =	vst v6  }
0x45: {  	v61 =	vld.idx.msk [tilespmem:v0+s21+$0x0 ss:$0x1], $0xffff;
	[tilespmem:s31+$0x30] =	vst v56  }
0x46: {  	v62 =	vld.idx.msk [tilespmem:v0+s21+$0x10 ss:$0x1], $0xffff;
	[tilespmem:s31+$0xFFFFFFC0] =	vst v57  }
0x47: {  	v63 =	vld.idx.msk [tilespmem:v0+s21+$0x20 ss:$0x1], $0xffff;
	[tilespmem:s31+$0xFFFFFFD0] =	vst v58  }
.Ltmp4:
0x48: {  	[tilespmem:s31+$0xFFFFFFE0] =	vst v59;
	(pc) =	sbr.rel @p0 .LBB1_3-.Ltmp4, $4  }
0x49: {  	[tilespmem:s31+$0xFFFFFFF0] =	vst v60  }
0x4a: {  	[tilespmem:s31+$0x0] =	vst v61  }
0x4b: {  	[tilespmem:s31+$0x10] =	vst v62  }
0x4c: {  	p1 =	por $0x0, $0x0;
	s20 =	simm.s32 $0x1;
	[tilespmem:s31+$0x20] =	vst v63  }
0x4d: {  	s16 =	sshll.u32 s16, $0x7;
	s18 =	sand.u32 $0x78, s14  }
0x4e: {  	s15 =	sshll.u32 s15, $0xE;
	s31 =	sand.u32 $0x7, s14;
	s19 =	sand.u32 $0x380, s16  }
.Ltmp5:
0x4f: {  	s16 =	sand.u32 $0x3C00, s16;
	s18 =	sor.u32 s19, s18;
	(pc) =	sbr.rel .LBB1_7-.Ltmp5, $4  }
0x50: {  	s15 =	sadd.s32 s4, s15;
	s16 =	sadd.s32 s14, s16;
	s18 =	sshrl.u32 s18, $0x3  }
0x51: {  	s14 =	sshll.u32 s31, $0x12;
	s16 =	sand.u32 $0x3F80, s16;
	s15 =	sadd.s32 s18, s15  }
0x52: {  	s14 =	sor.u32 $0x100, s14;
	s15 =	sadd.s32 s16, s15  }
0x53: {  	[hbm4b:s15+s14] =	stream.strided.scatter [tilespmem:s17], [sflag:$0x2], $0x4000, s8, s14, $0x38;
	[tilespmem:$0x10000] =	vst v63  }
.LBB1_8:
0x54: {  	_ =	sfence.sel $0x180000  }
0x55: {  	s2 =	simm.s32 $0x1;
	[bflag:$0x0] =	sbarrier.arrive $0xFFFF  }
0x56: {  	s31 =	simm.s32 $0x2;
	[sflag:s2] =	ssyncpa.u1 $0x1  }
0x57: {  	[sflag:s31] =	ssyncpa.u1 $0x1  }
0x58: {  	p0 =	sne.s32 s0, $0x0;
	_ =	strace $0x90000047  }
0x59: {  	s0 =	sadd.s32 @!p0 $0x100000, s1;
	[bflag:$0x2] =	sbarrier.arrive $0xFFFF  }
0x5a: {  	[sflag:s0] =	ssyncadd.tile.s32 @!p0 $0x1;
	_ =	shalt  }
.Lfunc_end1:
_tile_overlayer_lowered:
.L_overlay_start_2:
0x5b: {  	(tag) =	ssettag $0x2  }
0x5c: {  	s0 =	rddreg [dreg:$0x0];
	s2 =	stileid.u32  }
0x5d: {  	s1 =	rddreg [dreg:$0x1];
	p0 =	sne.s32 s2, $0x0  }
0x5e: {  	s3 =	rddreg [dreg:$0x2];
	[bflag:$0x3] =	sbarrier.arrive $0xFFFF;
	s2 =	simm.s32 @!p0 $0x1C01  }
0x5f: {  	[timem:s3], [sflag:s2] =	dma.local @!p0 [hbm:s0], s1  }
0x60: {  	s0 =	simm.s32 @!p0 $0x1  }
0x61: {  	_ =	swait.ge @!p0 [sflag:s0], s1  }
0x62: {  	s1 =	ssub.s32 @!p0 $0x0, s1;
	[sflag:s0] =	ssyncset.done @!p0 $0x0  }
0x63: {  	[sflag:s0] =	ssyncadd.s32 @!p0 s1  }
0x64: {  	[bflag:$0x3] =	sbarrier.arrive $0xFFFF  }
0x65: {  	_ =	shalt  }

// kernel: sparse-core-data-format-call.cloned.1.call-start
scs
called_computation_lowered:
.L_overlay_start_0:
0x0: {  	s2 =	sld [smem:$0x3FD9]  }
0x1: {  	s3 =	sld [smem:$0x3FFE];
	_ =	sdelay $0x1  }
0x2: {  	s1 =	srdreg.scid  }
0x3: {  	s0 =	sand.u32 $0x1, s1  }
0x4: {  	s18 =	sshll.u32 s0, $0xA;
	s2 =	sadd.s32 s3, s2  }
0x5: {  	s2 =	sadd.s32 s2, s18  }
0x6: {  	[smem:$0x3FBD] =	sst s2  }
0x7: {  	_ = 	snop  }
0x8: {  	s2 =	sld [smem:$0x3FD0];
	(tm) =	ssettm $0x1  }
0x9: {  	s19 =	sld [smem:$0x3FFB];
	_ =	sdelay $0x3  }
0xa: {  	_ =	strace s19  }
0xb: {  	s3 =	sld [smem:$0x3FFC];
	_ =	sdelay $0x3  }
0xc: {  	_ =	strace s3  }
0xd: {  	s3 =	sld [smem:$0x3FFD];
	_ =	sdelay $0x3  }
0xe: {  	_ =	strace s3  }
0xf: {  	_ =	strace $0x8FFFFFFF  }
0x10: {  	s20 =	sld [smem:$0x3FDB];
	_ =	sdelay $0x1  }
0x11: {  	s4 =	simm.s32 $_scs_section_size  }
0x12: {  	s5 =	simm.s32 $_size__tile_overlayer_lowered;
	s6 =	simm.s32 $_tile_overlayer_lowered  }
0x13: {  	s23 =	simm.s32 $0x1BFF;
	s22 =	sshll.u32 s6, $0x1;
	s3 =	sadd.s32 s4, s20  }
0x14: {  	s7 =	simm.s32 $0x0;
	s21 =	sshll.u32 s5, $0x1;
	s5 =	sadd.s32 s22, s3  }
0x15: {  	[timem:s7], [sflag:s23] =	dma.local [hbm:s5], s21  }
0x16: {  	_ =	swait.ge [sflag:s23], s21  }
0x17: {  	s4 =	ssub.s32 $0x0, s21;
	[sflag:s23] =	ssyncset.done $0x0  }
0x18: {  	[sflag:s23] =	ssyncadd.s32 s4;
	_ =	sdelay $0x1  }
0x19: {  	s24 =	simm.s32 $0x1B8B  }
0x1a: {  	_ =	swait.ge [sflag:s24], $0x1  }
0x1b: {  	[sflag:s24] =	ssyncset.done $0x0  }
0x1c: {  	s26 =	simm.s32 $0x1B8E;
	s25 =	sld [smem:$0x3FFE];
	[sflag:s24] =	ssyncadd.s32 $0xFFFFFFFF  }
0x1d: {  	s27 =	simm.s32 $execute0_lowered;
	[smem:$0x3FD2] =	sst s26  }
0x1e: {  	s5 =	sshll.u32 s27, $0x1;
	_ =	strace $0x80000049;
	[dreg:$0x1] =	wrdreg $0xFFFFFFFF  }
0x1f: {  	s28 =	simm.s32 $_size_execute0_lowered;
	s3 =	sadd.s32 s3, s5;
	[dreg:$0x0] =	wrdreg $0x0  }
0x20: {  	s5 =	sshll.u32 s28, $0x1;
	[dreg:$0x2] =	wrdreg s3  }
0x21: {  	[dreg:$0x3] =	wrdreg s5  }
0x22: {  	[dreg:$0x4] =	wrdreg $0xC0  }
0x23: {  	_ =	task [dreg:s7], $0x5FFFF  }
0x24: {  	[dreg:$0x1] =	wrdreg $0xFFFFFFFF  }
0x25: {  	[dreg:$0x0] =	wrdreg $0x60  }
0x26: {  	[dreg:$0x2] =	wrdreg s25  }
0x27: {  	[dreg:$0x3] =	wrdreg s2  }
0x28: {  	[dreg:$0x4] =	wrdreg $0x9  }
0x29: {  	_ =	task.clear_ibuf [dreg:s7], $0x5FFFF;
	_ =	strace $0x90000049  }
0x2a: {  	s29 =	simm.s32 $0x9;
	_ =	strace $0x8000004B  }
0x2b: {  	_ =	swait.ge [sflag:s29], $0x1  }
0x2c: {  	[sflag:s29] =	ssyncadd.s32 $0xFFFFFFFF  }
0x2d: {  	_ =	strace $0x9000004B  }
0x2e: {  	_ =	sfence  }
0x2f: {  	s30 =	sld [smem:$0x0];
	_ =	sdelay $0x2  }
0x30: {  	s31 =	sshll.u32 s1, $0xD;
	s1 =	sshrl.u32 s1, $0x2  }
0x31: {  	s3 =	sand.u32 $0x4000, s31;
	s1 =	sadd.s32 s1, s30  }
0x32: {  	s0 =	sor.u32 s3, s0;
	s1 =	sshll.u32 s1, $0x11  }
0x33: {  	s0 =	sor.u32 s1, s0  }
0x34: {  	s0 =	sadd.s32 $0x8F2B, s0  }
0x35: {  	[sflag:s0] =	ssyncadd.remote.s32 $0x1  }
0x36: {  	_ =	sfence.sel $0xFFFF  }
0x37: {  	[dreg:$0x0] =	wrdreg $0xFFFFFFFF;
	(pc) =	sbr.abs _section_cstart, $3  }
0x38: {  	[dreg:$0x1] =	wrdreg $0xFFFFFFFF  }
0x39: {  	_ =	task.clear_ibuf [dreg:s7], $0x2FFFF;
	_ =	strace $0x9FFFFFFF  }
0x3a: {  	(tm) =	ssettm $0x7FFFFFFF  }
0x3b: {  	_ =	shalt  }
tec
execute0_lowered:
.L_overlay_start_1:
0x0: {  	(tag) =	ssettag $0x1  }
0x1: {  	s1 =	rddreg [dreg:$0x0]  }
0x2: {  	s2 =	rddreg [dreg:$0x1]  }
0x3: {  	s0 =	rddreg [dreg:$0x2]  }
0x4: {  	s4 =	srdreg.scid;
	_ =	strace $0x8000004A;
	s6 =	simm.s32 $0x2  }
0x5: {  	s11 =	simm.s32 $0x0;
	p0 =	por $0x0, $0x0;
	s12 =	simm.s32 $0x0  }
.Ltmp0:
0x6: {  	s13 =	simm.s32 $0x0;
	s8 =	simm.s32 $0x0;
	(pc) =	sbr.rel .LBB1_1-.Ltmp0, $4  }
0x7: {  	s9 =	simm.s32 $0x0;
	s3 =	sadd.s32 $0x1800, s1;
	s4 =	sshll.u32 s4, $0x4  }
0x8: {  	s1 =	stileid.u32;
	s5 =	sand.u32 $0x10, s4;
	s4 =	simm.s32 $0x1  }
0x9: {  	s7 =	simm.s32 $0x0;
	s5 =	sor.u32 s1, s5;
	[sflag:s4] =	ssyncpa.u1 $0x0  }
0xa: {  	[sflag:s6] =	ssyncpa.u1 $0x0;
	s6 =	simm.s32 $0x10000;
	s10 =	smov.u32 s5  }
.LBB1_5:
0xb: {  	s14 =	sadd.s32 $0x80, s8  }
0xc: {  	s11 =	sadd.s32 $0x80, s9;
	s15 =	smov.u32 s9;
	p2 =	sgt.s32 s14, $0x3FF  }
0xd: {  	s15 =	smov.u32 @p2 s11  }
0xe: {  	s17 =	smov.u32 s10;
	s11 =	sadd.s32 $0x20, s10;
	p3 =	sgt.s32 s15, $0x7F  }
0xf: {  	p1 =	slt.u32 s7, $0x2;
	s17 =	smov.u32 @p3 s11  }
0x10: {  	s7 =	sadd.s32 $0x1, s7;
	s14 =	simm.s32 @p2 $0x0;
	p2 =	sgt.s32 s17, $0x3F  }
0x11: {  	s17 =	smov.u32 @p2 s5;
	p2 =	sne.s32 s7, $0x12  }
.Ltmp1:
0x12: {  	s16 =	simm.s32 @!p1 $0x2;
	(pc) =	sbr.rel @!p2 .LBB1_6-.Ltmp1, $4  }
0x13: {  	s12 =	smov.u32 s9;
	_ =	swait.ge @!p1 [sflag:s16], $0x4000  }
0x14: {  	s13 =	smov.u32 s10;
	p0 =	por !p0, !p0;
	[sflag:s16] =	ssyncset.done @!p1 $0x0  }
0x15: {  	s15 =	simm.s32 @p3 $0x0;
	s11 =	smov.u32 s8;
	[sflag:s16] =	ssyncadd.s32 @!p1 $0xFFFFC000  }
0x16: {  	s8 =	smov.u32 s14;
	s9 =	smov.u32 s15;
	s10 =	smov.u32 s17  }
.LBB1_1:
0x17: {  	p1 =	sgt.u32 s7, $0xF  }
0x18: {  	s14 =	sshll.u32 @!p1 s9, $0x7  }
0x19: {  	s15 =	sxor.u32 @!p1 $0xFFFFFFFF, s7;
	s16 =	sand.u32 @!p1 $0x78, s8;
	s17 =	sand.u32 @!p1 $0x380, s14  }
0x1a: {  	s15 =	sshll.u32 @!p1 s15, $0xE;
	s16 =	sor.u32 @!p1 s16, s17;
	s17 =	sshll.u32 @!p1 s10, $0xE  }
0x1b: {  	s14 =	sand.u32 @!p1 $0x3C00, s14;
	s16 =	sshrl.u32 @!p1 s16, $0x3;
	s17 =	sadd.s32 @!p1 s3, s17  }
0x1c: {  	s14 =	sadd.s32 @!p1 s8, s14;
	s16 =	sadd.s32 @!p1 s16, s17;
	s17 =	sand.u32 @!p1 $0x7, s8  }
0x1d: {  	s15 =	sand.u32 @!p1 $0x4000, s15;
	s14 =	sand.u32 @!p1 $0x3F80, s14;
	s17 =	sshll.u32 @!p1 s17, $0x12  }
0x1e: {  	s14 =	sadd.s32 @!p1 s14, s16;
	s16 =	sor.u32 @!p1 $0x400, s17;
	s17 =	simm.s32 @!p1 $0x2000  }
0x1f: {  	[tilespmem:s15], [sflag:$0x1] =	stream.strided.gather @!p1 [hbm4b:s14+s16], $0x4000, s17, s16, $0x38;
	[tilespmem:$0x10000] =	vst v63  }
0x20: {  	p1 =	seq.s32 s7, $0x0  }
0x21: {  	p2 =	seq.s32 @!p1 s7, $0x11  }
0x22: {  	p1 =	por p1, p2  }
.Ltmp2:
0x23: {  	_ = 	snop;
	(pc) =	sbr.rel @p1 .LBB1_5-.Ltmp2, $1  }
0x24: {  	_ =	sdelay $0x3  }
0x25: {  	s14 =	simm.s32 $0x1  }
0x26: {  	s14 =	simm.s32 @!p0 $0x0  }
0x27: {  	s14 =	sshll.u32 s14, $0xE  }
0x28: {  	s15 =	sor.u32 $0x40, s14  }
0x29: {  	v1 =	vmov s15;
	_ =	sdelay $0x1  }
0x2a: {  	_ =	swait.ge [sflag:s4], $0x4000  }
0x2b: {  	[sflag:s4] =	ssyncset.done $0x0  }
0x2c: {  	s16 =	simm.s32 $0x0;
	[sflag:s4] =	ssyncadd.s32 $0xFFFFC000  }
0x2d: {  	s14 =	sor.u32 $0x8070, s14;
	v7 =	vld.idx.msk [tilespmem:v1+s16+$0x30 ss:$0x1], $0xffff  }
0x2e: {  	v0 =	vmov s14;
	v8 =	vld.idx.msk [tilespmem:v1+s16+$0xFFFFFFC0 ss:$0x1], $0xffff  }
0x2f: {  	v6 =	vld.idx.msk [tilespmem:v1+s16+$0xFFFFFFD0 ss:$0x1], $0xffff  }
0x30: {  	v4 =	vld.idx.msk [tilespmem:v1+s16+$0xFFFFFFE0 ss:$0x1], $0xffff  }
0x31: {  	v2 =	vld.idx.msk [tilespmem:v1+s16+$0xFFFFFFF0 ss:$0x1], $0xffff  }
0x32: {  	s31 =	sshll.u32 s7, $0xE;
	v3 =	vld.idx.msk [tilespmem:v1+s16+$0x0 ss:$0x1], $0xffff  }
0x33: {  	s14 =	sand.u32 $0x4000, s31;
	v5 =	vld.idx.msk [tilespmem:v1+s16+$0x10 ss:$0x1], $0xffff;
	[tilespmem:v0+s16+$0x0 ss:$0x1] =	vst.idx.msk $0xffff, v7  }
0x34: {  	s17 =	simm.s32 $0x400;
	s15 =	simm.s32 $0x80;
	s14 =	sor.u32 $0x8000, s14;
	[tilespmem:v0+s16+$0xFFFFFF90 ss:$0x1] =	vst.idx.msk $0xffff, v8;
	v7 =	vld.idx.msk [tilespmem:v1+s16+$0x20 ss:$0x1], $0xffff  }
.LBB1_3:
0x35: {  	p1 =	sne.s32 s17, $0xFE00;
	v8 =	vld.idx.msk [tilespmem:v1+s15+$0x30 ss:$0x1], $0xffff;
	[tilespmem:v0+s16+$0xFFFFFFA0 ss:$0x1] =	vst.idx.msk $0xffff, v6  }
0x36: {  	v9 =	vld.idx.msk [tilespmem:v1+s15+$0xFFFFFFC0 ss:$0x1], $0xffff;
	[tilespmem:v0+s16+$0xFFFFFFB0 ss:$0x1] =	vst.idx.msk $0xffff, v4  }
0x37: {  	v6 =	vld.idx.msk [tilespmem:v1+s15+$0xFFFFFFD0 ss:$0x1], $0xffff;
	[tilespmem:v0+s16+$0xFFFFFFC0 ss:$0x1] =	vst.idx.msk $0xffff, v2  }
.Ltmp3:
0x38: {  	v4 =	vld.idx.msk [tilespmem:v1+s15+$0xFFFFFFE0 ss:$0x1], $0xffff;
	[tilespmem:v0+s16+$0xFFFFFFD0 ss:$0x1] =	vst.idx.msk $0xffff, v3;
	(pc) =	sbr.rel @p1 .LBB1_3-.Ltmp3, $4  }
0x39: {  	v2 =	vld.idx.msk [tilespmem:v1+s15+$0xFFFFFFF0 ss:$0x1], $0xffff;
	[tilespmem:v0+s16+$0xFFFFFFE0 ss:$0x1] =	vst.idx.msk $0xffff, v5  }
0x3a: {  	v3 =	vld.idx.msk [tilespmem:v1+s15+$0x0 ss:$0x1], $0xffff;
	[tilespmem:v0+s16+$0xFFFFFFF0 ss:$0x1] =	vst.idx.msk $0xffff, v7;
	s16 =	smov.u32 s15  }
0x3b: {  	v5 =	vld.idx.msk [tilespmem:v1+s16+$0x10 ss:$0x1], $0xffff;
	[tilespmem:v0+s16+$0x0 ss:$0x1] =	vst.idx.msk $0xffff, v8  }
0x3c: {  	s15 =	sshra.s32 s17, $0x2;
	s17 =	sadd.s32 $0x200, s17;
	[tilespmem:v0+s16+$0xFFFFFF90 ss:$0x1] =	vst.idx.msk $0xffff, v9;
	v7 =	vld.idx.msk [tilespmem:v1+s16+$0x20 ss:$0x1], $0xffff  }
0x3d: {  	_ =	sdelay $0x3  }
0x3e: {  	[tilespmem:v0+s16+$0xFFFFFFA0 ss:$0x1] =	vst.idx.msk $0xffff, v6  }
0x3f: {  	v56 =	vld.idx.msk [tilespmem:v1+s15+$0x30 ss:$0x1], $0xffff;
	[tilespmem:v0+s16+$0xFFFFFFB0 ss:$0x1] =	vst.idx.msk $0xffff, v4  }
0x40: {  	v57 =	vld.idx.msk [tilespmem:v1+s15+$0xFFFFFFC0 ss:$0x1], $0xffff;
	[tilespmem:v0+s16+$0xFFFFFFC0 ss:$0x1] =	vst.idx.msk $0xffff, v2  }
0x41: {  	v58 =	vld.idx.msk [tilespmem:v1+s15+$0xFFFFFFD0 ss:$0x1], $0xffff;
	[tilespmem:v0+s16+$0xFFFFFFD0 ss:$0x1] =	vst.idx.msk $0xffff, v3  }
0x42: {  	v59 =	vld.idx.msk [tilespmem:v1+s15+$0xFFFFFFE0 ss:$0x1], $0xffff;
	[tilespmem:v0+s16+$0xFFFFFFE0 ss:$0x1] =	vst.idx.msk $0xffff, v5  }
0x43: {  	v60 =	vld.idx.msk [tilespmem:v1+s15+$0xFFFFFFF0 ss:$0x1], $0xffff;
	[tilespmem:v0+s16+$0xFFFFFFF0 ss:$0x1] =	vst.idx.msk $0xffff, v7  }
0x44: {  	v61 =	vld.idx.msk [tilespmem:v1+s15+$0x0 ss:$0x1], $0xffff;
	[tilespmem:v0+s15+$0x0 ss:$0x1] =	vst.idx.msk $0xffff, v56  }
0x45: {  	v62 =	vld.idx.msk [tilespmem:v1+s15+$0x10 ss:$0x1], $0xffff;
	[tilespmem:v0+s15+$0xFFFFFF90 ss:$0x1] =	vst.idx.msk $0xffff, v57  }
0x46: {  	v63 =	vld.idx.msk [tilespmem:v1+s15+$0x20 ss:$0x1], $0xffff;
	s13 =	sshll.u32 s13, $0x7;
	s30 =	sand.u32 $0x78, s11;
	[tilespmem:v0+s15+$0xFFFFFFA0 ss:$0x1] =	vst.idx.msk $0xffff, v58  }
0x47: {  	s12 =	sshll.u32 s12, $0xD;
	s31 =	sand.u32 $0x7, s11;
	s17 =	sand.u32 $0x380, s13;
	[tilespmem:v0+s15+$0xFFFFFFB0 ss:$0x1] =	vst.idx.msk $0xffff, v59  }
.Ltmp4:
0x48: {  	s13 =	sand.u32 $0x1C00, s13;
	s16 =	sor.u32 s17, s30;
	[tilespmem:v0+s15+$0xFFFFFFC0 ss:$0x1] =	vst.idx.msk $0xffff, v60;
	(pc) =	sbr.rel .LBB1_5-.Ltmp4, $4  }
0x49: {  	s12 =	sadd.s32 s2, s12;
	s13 =	sadd.s32 s11, s13;
	[tilespmem:v0+s15+$0xFFFFFFD0 ss:$0x1] =	vst.idx.msk $0xffff, v61;
	s16 =	sshrl.u32 s16, $0x3  }
0x4a: {  	s11 =	sshll.u32 s31, $0x12;
	s13 =	sand.u32 $0x1F80, s13;
	[tilespmem:v0+s15+$0xFFFFFFE0 ss:$0x1] =	vst.idx.msk $0xffff, v62;
	s12 =	sadd.s32 s16, s12  }
0x4b: {  	s11 =	sor.u32 $0x80, s11;
	[tilespmem:v0+s15+$0xFFFFFFF0 ss:$0x1] =	vst.idx.msk $0xffff, v63;
	s12 =	sadd.s32 s13, s12  }
0x4c: {  	[hbm4b:s12+s11] =	stream.strided.scatter [tilespmem:s14], [sflag:$0x2], $0x4000, s6, s11, $0x38;
	[tilespmem:$0x10000] =	vst v63  }
.LBB1_6:
0x4d: {  	_ =	sfence.sel $0x180000  }
0x4e: {  	s2 =	simm.s32 $0x1;
	[bflag:$0x0] =	sbarrier.arrive $0xFFFF  }
0x4f: {  	s31 =	simm.s32 $0x2;
	[sflag:s2] =	ssyncpa.u1 $0x1  }
0x50: {  	[sflag:s31] =	ssyncpa.u1 $0x1  }
0x51: {  	p0 =	sne.s32 s1, $0x0;
	_ =	strace $0x9000004A  }
0x52: {  	s0 =	sadd.s32 @!p0 $0x100000, s0;
	[bflag:$0x2] =	sbarrier.arrive $0xFFFF  }
0x53: {  	[sflag:s0] =	ssyncadd.tile.s32 @!p0 $0x1;
	_ =	shalt  }
.Lfunc_end1:
_tile_overlayer_lowered:
.L_overlay_start_2:
0x54: {  	(tag) =	ssettag $0x2  }
0x55: {  	s0 =	rddreg [dreg:$0x0];
	s2 =	stileid.u32  }
0x56: {  	s1 =	rddreg [dreg:$0x1];
	p0 =	sne.s32 s2, $0x0  }
0x57: {  	s3 =	rddreg [dreg:$0x2];
	[bflag:$0x3] =	sbarrier.arrive $0xFFFF;
	s2 =	simm.s32 @!p0 $0x1C01  }
0x58: {  	[timem:s3], [sflag:s2] =	dma.local @!p0 [hbm:s0], s1  }
0x59: {  	s0 =	simm.s32 @!p0 $0x1  }
0x5a: {  	_ =	swait.ge @!p0 [sflag:s0], s1  }
0x5b: {  	s1 =	ssub.s32 @!p0 $0x0, s1;
	[sflag:s0] =	ssyncset.done @!p0 $0x0  }
0x5c: {  	[sflag:s0] =	ssyncadd.s32 @!p0 s1  }
0x5d: {  	[bflag:$0x3] =	sbarrier.arrive $0xFFFF  }
0x5e: {  	_ =	shalt  }

</sc_bundles>
